<compile_context>
chip_gen: v7x
topology: tpu7x:2x2x1
jax: 0.10.2.dev20260603
libtpu: 0.0.44.dev20260713+nightly
codegen_flags: <defaults>
</compile_context>

<pallas_src>
import dataclasses
import functools

import jax
import jax.numpy as jnp
from jax import lax
from jax.experimental import pallas as pl
from jax.experimental.pallas import tpu as pltpu
from jax.experimental.pallas import tpu_sc as plsc

_ROW = 64
_COL = 64
_K = 20
_BATCH = 16384
_NC = 2
_NS = 16
_NW = _NC * _NS
_CHUNK = _BATCH // _NW
_LANES = 16
_TAB = _ROW * _COL


def _table_body(sos_ref, ma_ref, tab_ref):
    x = sos_ref[...]
    sp = jnp.maximum(x, 0.0) + jnp.log1p(jnp.exp(-jnp.abs(x)))
    s_perm = jnp.concatenate([sp[:, :_COL], sp[:, _COL:]], axis=0)
    mat_p = lax.dot_general(
        s_perm, s_perm, (((1,), (1,)), ((), ())),
        preferred_element_type=jnp.float32,
        precision=lax.Precision.DEFAULT,
    )
    scale = 1.0 / jnp.sqrt(jnp.sum(mat_p * mat_p))
    ri = lax.broadcasted_iota(jnp.int32, (_ROW, _ROW), 0)
    ci = lax.broadcasted_iota(jnp.int32, (_ROW, _ROW), 1)
    perm = jnp.where(ci == ((ri >> 1) | ((ri & 1) << 5)), scale, 0.0)
    mat_pc = lax.dot_general(
        mat_p, perm, (((1,), (1,)), ((), ())),
        preferred_element_type=jnp.float32,
        precision=lax.Precision.DEFAULT,
    )
    tab = jnp.concatenate([mat_pc[:32, :], mat_pc[32:, :]], axis=1)
    tab_ref[...] = jnp.concatenate([tab, tab * ma_ref[0, 0]], axis=0)


def _make_tables(sos, multiA):
    return pl.pallas_call(
        _table_body,
        out_shape=jax.ShapeDtypeStruct((64, 128), jnp.float32),
    )(sos.reshape(32, 128), multiA.reshape(1, 1))


def _sc_body(idxt_hbm, tab_hbm, out_hbm, idx_v, tab_v, out_v, sem):
    wid = lax.axis_index("s") * _NC + lax.axis_index("c")
    base = wid * _CHUNK
    ht = pltpu.async_copy(tab_hbm, tab_v, sem)
    hi = pltpu.async_copy(idxt_hbm.at[:, pl.ds(base, _CHUNK)], idx_v, sem)
    ht.wait()
    hi.wait()

    def _group(r):
        vals = [plsc.load_gather(tab_v, [idx_v[0, pl.ds(r, _LANES)] + _TAB])]
        for k in range(1, _K):
            vals.append(plsc.load_gather(tab_v, [idx_v[k, pl.ds(r, _LANES)]]))
        while len(vals) > 1:
            vals = [a * b for a, b in zip(vals[::2], vals[1::2])] + (
                [vals[-1]] if len(vals) % 2 else []
            )
        out_v[pl.ds(r, _LANES)] = vals[0]

    @pl.loop(0, _CHUNK, step=2 * _LANES)
    def _(r):
        _group(r)
        _group(r + _LANES)

    pltpu.sync_copy(out_v, out_hbm.at[pl.ds(base, _CHUNK)])


_SC_PARAMS = pltpu.CompilerParams()
if "needs_layout_passes" in pltpu.CompilerParams.__dataclass_fields__:
    _SC_PARAMS = dataclasses.replace(_SC_PARAMS, needs_layout_passes=False)


@functools.partial(
    pl.kernel,
    out_type=jax.ShapeDtypeStruct((_BATCH,), jnp.float32),
    compiler_params=_SC_PARAMS,
    mesh=plsc.VectorSubcoreMesh(core_axis_name="c", subcore_axis_name="s"),
    scratch_types=[
        pltpu.VMEM((_K, _CHUNK), jnp.int32),
        pltpu.VMEM((2 * _TAB,), jnp.float32),
        pltpu.VMEM((_CHUNK,), jnp.float32),
        pltpu.SemaphoreType.DMA,
    ],
)
def _sc_kernel(*refs):
    _sc_body(*refs)


def kernel(_input, sos, multiA):
    tab = _make_tables(sos, multiA)
    return _sc_kernel(_input.T, tab.reshape(-1))

# --- scband reference (transcript-rebuilt; emitter-appended) ---
"""Pipeline reference for scband-kronecker-model-85598698209720 (READ-ONLY COPY).

The authoritative reference and input builder live on the scoring server;
editing this copy changes nothing except your own understanding.
"""

import jax, jax.numpy as jnp
import numpy as np

INIT_ROW = 64
INIT_COL = 64
K = 20
BATCH = 16384

def setup_inputs(seed: int = 0) -> dict:
    key = jax.random.key(seed)
    k1, k2 = jax.random.split(key)
    _input = jax.random.randint(k1, (BATCH, K), 0, INIT_ROW * INIT_COL, dtype=jnp.int64)
    sos = jax.random.uniform(k2, (INIT_ROW * INIT_COL,), dtype=jnp.float32)
    multiA = jnp.array([jnp.sqrt(jnp.float32(1e8))], dtype=jnp.float32)
    return {"_input": _input, "sos": sos, "multiA": multiA}

def reference(_input, sos, multiA):
    # opt == 'A' branch of KroneckerModel.forward
    batch_size = _input.shape[0]
    sos_sp = jax.nn.softplus(sos).reshape(INIT_ROW, INIT_COL)
    mat = jnp.matmul(sos_sp, sos_sp.T).reshape(-1)
    mat_scaled = mat / jnp.sqrt(jnp.sum(jnp.square(mat)))
    gathered = jnp.take(mat_scaled, _input[:, 1:K].reshape(-1), axis=0).reshape(batch_size, K - 1)
    output = jnp.take(mat_scaled, _input[:, 0], axis=0) * jnp.prod(gathered, axis=1)
    output = output * multiA
    return output

if __name__ == "__main__":
    import jax
    _d = setup_inputs()
    print(jax.jit(kernel)(*tuple(_d.values())))

</pallas_src>

<mosaic_0001>
#map = affine_map<(d0, d1) -> (0, 0)>
#map1 = affine_map<(d0, d1) -> (0)>
module attributes {stable_mosaic.version = 14 : i64} {
  func.func @_sc_kernel(%arg0: i32, %arg1: i32, %arg2: memref<20x16384xi32, #tpu.memory_space<hbm>>, %arg3: memref<8192xf32, #tpu.memory_space<hbm>>, %arg4: memref<16384xf32, #tpu.memory_space<hbm>>, %arg5: memref<20x512xi32, #tpu.memory_space<vmem>>, %arg6: memref<8192xf32, #tpu.memory_space<vmem>>, %arg7: memref<512xf32, #tpu.memory_space<vmem>>, %arg8: memref<!tpu.dma_semaphore, #tpu.memory_space<semaphore_mem>>) attributes {dimension_semantics = [#tpu.dimension_semantics<core_parallel>, #tpu.dimension_semantics<subcore_parallel>], iteration_bounds = array<i64: 2, 16>, scalar_prefetch = 0 : i64, scratch_operands = 4 : i64, tpu.core_type = #tpu.core_type<sc_vector_subcore>, window_params = [{transform_indices = #map}, {transform_indices = #map1}, {transform_indices = #map1}]} {
    %mul3A = arith.constant 2 : i32
    %mul3A_0 = arith.muli %arg1, %mul3A : i32
    %add3A = arith.addi %mul3A_0, %arg0 : i32
    %mul3A_1 = arith.constant 512 : i32
    %mul3A_2 = arith.muli %add3A, %mul3A_1 : i32
    tpu.enqueue_dma source(%arg3 : memref<8192xf32, #tpu.memory_space<hbm>>) target(%arg6 : memref<8192xf32, #tpu.memory_space<vmem>>) target_semaphore(%arg8 : memref<!tpu.dma_semaphore, #tpu.memory_space<semaphore_mem>>)
    %dma_start3A = arith.constant 0 : i32
    %dma_start3A_3 = tpu.memref_slice %arg2[%dma_start3A, %mul3A_2] : memref<20x16384xi32, #tpu.memory_space<hbm>> -> memref<20x512xi32, #tpu.memory_space<hbm>>
    %dma_start3A_4 = arith.constant 0 : i32
    %dma_start3A_5 = tpu.memref_slice %arg2[%dma_start3A_4, %mul3A_2] : memref<20x16384xi32, #tpu.memory_space<hbm>> -> memref<20x512xi32, #tpu.memory_space<hbm>>
    tpu.enqueue_dma source(%dma_start3A_5 : memref<20x512xi32, #tpu.memory_space<hbm>>) target(%arg5 : memref<20x512xi32, #tpu.memory_space<vmem>>) target_semaphore(%arg8 : memref<!tpu.dma_semaphore, #tpu.memory_space<semaphore_mem>>)
    tpu.wait_dma2 semaphore(%arg8 : memref<!tpu.dma_semaphore, #tpu.memory_space<semaphore_mem>>) src(%arg3 : memref<8192xf32, #tpu.memory_space<hbm>>) dst(%arg6 : memref<8192xf32, #tpu.memory_space<vmem>>)
    %dma_wait3A = arith.constant 0 : i32
    %dma_wait3A_6 = tpu.memref_slice %arg2[%dma_wait3A, %mul3A_2] : memref<20x16384xi32, #tpu.memory_space<hbm>> -> memref<20x512xi32, #tpu.memory_space<hbm>>
    %dma_wait3A_7 = arith.constant 0 : i32
    %dma_wait3A_8 = tpu.memref_slice %arg2[%dma_wait3A_7, %mul3A_2] : memref<20x16384xi32, #tpu.memory_space<hbm>> -> memref<20x512xi32, #tpu.memory_space<hbm>>
    tpu.wait_dma2 semaphore(%arg8 : memref<!tpu.dma_semaphore, #tpu.memory_space<semaphore_mem>>) src(%dma_wait3A_8 : memref<20x512xi32, #tpu.memory_space<hbm>>) dst(%arg5 : memref<20x512xi32, #tpu.memory_space<vmem>>)
    %scan3A = arith.constant 0 : i32
    %scan3A_9 = arith.constant 16 : i32
    %scan3A_10 = arith.addi %scan3A, %scan3A_9 : i32
    %scan3A_11 = arith.constant 1 : i32
    scf.for %scan3A_13 = %scan3A to %scan3A_10 step %scan3A_11  : i32 {
      %mul3A_14 = arith.constant 32 : i32
      %mul3A_15 = arith.muli %scan3A_13, %mul3A_14 : i32
      %add3A_16 = arith.constant 0 : i32
      %add3A_17 = arith.addi %add3A_16, %mul3A_15 : i32
      %get3A = arith.constant 0 : i32
      %get3A_18 = arith.index_cast %get3A : i32 to index
      %get3A_19 = arith.index_cast %add3A_17 : i32 to index
      %get3A_20 = tpu.vector_load %arg5[%get3A_18, %get3A_19] {strides = array<i32>} : memref<20x512xi32, #tpu.memory_space<vmem>>, vector<16xi32>,
      %add3A_21 = arith.constant 4096 : i32
      %add3A_22 = vector.broadcast %add3A_21 : i32 to vector<16xi32>
      %add3A_23 = arith.addi %get3A_20, %add3A_22 : vector<16xi32>
      %gather3A = tpu.vector_load_idx %arg6[%add3A_23] : memref<8192xf32, #tpu.memory_space<vmem>>[vector<16xi32>], vector<16xf32>,
      %get3A_24 = arith.constant 1 : i32
      %get3A_25 = arith.index_cast %get3A_24 : i32 to index
      %get3A_26 = arith.index_cast %add3A_17 : i32 to index
      %get3A_27 = tpu.vector_load %arg5[%get3A_25, %get3A_26] {strides = array<i32>} : memref<20x512xi32, #tpu.memory_space<vmem>>, vector<16xi32>,
      %gather3A_28 = tpu.vector_load_idx %arg6[%get3A_27] : memref<8192xf32, #tpu.memory_space<vmem>>[vector<16xi32>], vector<16xf32>,
      %get3A_29 = arith.constant 2 : i32
      %get3A_30 = arith.index_cast %get3A_29 : i32 to index
      %get3A_31 = arith.index_cast %add3A_17 : i32 to index
      %get3A_32 = tpu.vector_load %arg5[%get3A_30, %get3A_31] {strides = array<i32>} : memref<20x512xi32, #tpu.memory_space<vmem>>, vector<16xi32>,
      %gather3A_33 = tpu.vector_load_idx %arg6[%get3A_32] : memref<8192xf32, #tpu.memory_space<vmem>>[vector<16xi32>], vector<16xf32>,
      %get3A_34 = arith.constant 3 : i32
      %get3A_35 = arith.index_cast %get3A_34 : i32 to index
      %get3A_36 = arith.index_cast %add3A_17 : i32 to index
      %get3A_37 = tpu.vector_load %arg5[%get3A_35, %get3A_36] {strides = array<i32>} : memref<20x512xi32, #tpu.memory_space<vmem>>, vector<16xi32>,
      %gather3A_38 = tpu.vector_load_idx %arg6[%get3A_37] : memref<8192xf32, #tpu.memory_space<vmem>>[vector<16xi32>], vector<16xf32>,
      %get3A_39 = arith.constant 4 : i32
      %get3A_40 = arith.index_cast %get3A_39 : i32 to index
      %get3A_41 = arith.index_cast %add3A_17 : i32 to index
      %get3A_42 = tpu.vector_load %arg5[%get3A_40, %get3A_41] {strides = array<i32>} : memref<20x512xi32, #tpu.memory_space<vmem>>, vector<16xi32>,
      %gather3A_43 = tpu.vector_load_idx %arg6[%get3A_42] : memref<8192xf32, #tpu.memory_space<vmem>>[vector<16xi32>], vector<16xf32>,
      %get3A_44 = arith.constant 5 : i32
      %get3A_45 = arith.index_cast %get3A_44 : i32 to index
      %get3A_46 = arith.index_cast %add3A_17 : i32 to index
      %get3A_47 = tpu.vector_load %arg5[%get3A_45, %get3A_46] {strides = array<i32>} : memref<20x512xi32, #tpu.memory_space<vmem>>, vector<16xi32>,
      %gather3A_48 = tpu.vector_load_idx %arg6[%get3A_47] : memref<8192xf32, #tpu.memory_space<vmem>>[vector<16xi32>], vector<16xf32>,
      %get3A_49 = arith.constant 6 : i32
      %get3A_50 = arith.index_cast %get3A_49 : i32 to index
      %get3A_51 = arith.index_cast %add3A_17 : i32 to index
      %get3A_52 = tpu.vector_load %arg5[%get3A_50, %get3A_51] {strides = array<i32>} : memref<20x512xi32, #tpu.memory_space<vmem>>, vector<16xi32>,
      %gather3A_53 = tpu.vector_load_idx %arg6[%get3A_52] : memref<8192xf32, #tpu.memory_space<vmem>>[vector<16xi32>], vector<16xf32>,
      %get3A_54 = arith.constant 7 : i32
      %get3A_55 = arith.index_cast %get3A_54 : i32 to index
      %get3A_56 = arith.index_cast %add3A_17 : i32 to index
      %get3A_57 = tpu.vector_load %arg5[%get3A_55, %get3A_56] {strides = array<i32>} : memref<20x512xi32, #tpu.memory_space<vmem>>, vector<16xi32>,
      %gather3A_58 = tpu.vector_load_idx %arg6[%get3A_57] : memref<8192xf32, #tpu.memory_space<vmem>>[vector<16xi32>], vector<16xf32>,
      %get3A_59 = arith.constant 8 : i32
      %get3A_60 = arith.index_cast %get3A_59 : i32 to index
      %get3A_61 = arith.index_cast %add3A_17 : i32 to index
      %get3A_62 = tpu.vector_load %arg5[%get3A_60, %get3A_61] {strides = array<i32>} : memref<20x512xi32, #tpu.memory_space<vmem>>, vector<16xi32>,
      %gather3A_63 = tpu.vector_load_idx %arg6[%get3A_62] : memref<8192xf32, #tpu.memory_space<vmem>>[vector<16xi32>], vector<16xf32>,
      %get3A_64 = arith.constant 9 : i32
      %get3A_65 = arith.index_cast %get3A_64 : i32 to index
      %get3A_66 = arith.index_cast %add3A_17 : i32 to index
      %get3A_67 = tpu.vector_load %arg5[%get3A_65, %get3A_66] {strides = array<i32>} : memref<20x512xi32, #tpu.memory_space<vmem>>, vector<16xi32>,
      %gather3A_68 = tpu.vector_load_idx %arg6[%get3A_67] : memref<8192xf32, #tpu.memory_space<vmem>>[vector<16xi32>], vector<16xf32>,
      %get3A_69 = arith.constant 10 : i32
      %get3A_70 = arith.index_cast %get3A_69 : i32 to index
      %get3A_71 = arith.index_cast %add3A_17 : i32 to index
      %get3A_72 = tpu.vector_load %arg5[%get3A_70, %get3A_71] {strides = array<i32>} : memref<20x512xi32, #tpu.memory_space<vmem>>, vector<16xi32>,
      %gather3A_73 = tpu.vector_load_idx %arg6[%get3A_72] : memref<8192xf32, #tpu.memory_space<vmem>>[vector<16xi32>], vector<16xf32>,
      %get3A_74 = arith.constant 11 : i32
      %get3A_75 = arith.index_cast %get3A_74 : i32 to index
      %get3A_76 = arith.index_cast %add3A_17 : i32 to index
      %get3A_77 = tpu.vector_load %arg5[%get3A_75, %get3A_76] {strides = array<i32>} : memref<20x512xi32, #tpu.memory_space<vmem>>, vector<16xi32>,
      %gather3A_78 = tpu.vector_load_idx %arg6[%get3A_77] : memref<8192xf32, #tpu.memory_space<vmem>>[vector<16xi32>], vector<16xf32>,
      %get3A_79 = arith.constant 12 : i32
      %get3A_80 = arith.index_cast %get3A_79 : i32 to index
      %get3A_81 = arith.index_cast %add3A_17 : i32 to index
      %get3A_82 = tpu.vector_load %arg5[%get3A_80, %get3A_81] {strides = array<i32>} : memref<20x512xi32, #tpu.memory_space<vmem>>, vector<16xi32>,
      %gather3A_83 = tpu.vector_load_idx %arg6[%get3A_82] : memref<8192xf32, #tpu.memory_space<vmem>>[vector<16xi32>], vector<16xf32>,
      %get3A_84 = arith.constant 13 : i32
      %get3A_85 = arith.index_cast %get3A_84 : i32 to index
      %get3A_86 = arith.index_cast %add3A_17 : i32 to index
      %get3A_87 = tpu.vector_load %arg5[%get3A_85, %get3A_86] {strides = array<i32>} : memref<20x512xi32, #tpu.memory_space<vmem>>, vector<16xi32>,
      %gather3A_88 = tpu.vector_load_idx %arg6[%get3A_87] : memref<8192xf32, #tpu.memory_space<vmem>>[vector<16xi32>], vector<16xf32>,
      %get3A_89 = arith.constant 14 : i32
      %get3A_90 = arith.index_cast %get3A_89 : i32 to index
      %get3A_91 = arith.index_cast %add3A_17 : i32 to index
      %get3A_92 = tpu.vector_load %arg5[%get3A_90, %get3A_91] {strides = array<i32>} : memref<20x512xi32, #tpu.memory_space<vmem>>, vector<16xi32>,
      %gather3A_93 = tpu.vector_load_idx %arg6[%get3A_92] : memref<8192xf32, #tpu.memory_space<vmem>>[vector<16xi32>], vector<16xf32>,
      %get3A_94 = arith.constant 15 : i32
      %get3A_95 = arith.index_cast %get3A_94 : i32 to index
      %get3A_96 = arith.index_cast %add3A_17 : i32 to index
      %get3A_97 = tpu.vector_load %arg5[%get3A_95, %get3A_96] {strides = array<i32>} : memref<20x512xi32, #tpu.memory_space<vmem>>, vector<16xi32>,
      %gather3A_98 = tpu.vector_load_idx %arg6[%get3A_97] : memref<8192xf32, #tpu.memory_space<vmem>>[vector<16xi32>], vector<16xf32>,
      %get3A_99 = arith.constant 16 : i32
      %get3A_100 = arith.index_cast %get3A_99 : i32 to index
      %get3A_101 = arith.index_cast %add3A_17 : i32 to index
      %get3A_102 = tpu.vector_load %arg5[%get3A_100, %get3A_101] {strides = array<i32>} : memref<20x512xi32, #tpu.memory_space<vmem>>, vector<16xi32>,
      %gather3A_103 = tpu.vector_load_idx %arg6[%get3A_102] : memref<8192xf32, #tpu.memory_space<vmem>>[vector<16xi32>], vector<16xf32>,
      %get3A_104 = arith.constant 17 : i32
      %get3A_105 = arith.index_cast %get3A_104 : i32 to index
      %get3A_106 = arith.index_cast %add3A_17 : i32 to index
      %get3A_107 = tpu.vector_load %arg5[%get3A_105, %get3A_106] {strides = array<i32>} : memref<20x512xi32, #tpu.memory_space<vmem>>, vector<16xi32>,
      %gather3A_108 = tpu.vector_load_idx %arg6[%get3A_107] : memref<8192xf32, #tpu.memory_space<vmem>>[vector<16xi32>], vector<16xf32>,
      %get3A_109 = arith.constant 18 : i32
      %get3A_110 = arith.index_cast %get3A_109 : i32 to index
      %get3A_111 = arith.index_cast %add3A_17 : i32 to index
      %get3A_112 = tpu.vector_load %arg5[%get3A_110, %get3A_111] {strides = array<i32>} : memref<20x512xi32, #tpu.memory_space<vmem>>, vector<16xi32>,
      %gather3A_113 = tpu.vector_load_idx %arg6[%get3A_112] : memref<8192xf32, #tpu.memory_space<vmem>>[vector<16xi32>], vector<16xf32>,
      %get3A_114 = arith.constant 19 : i32
      %get3A_115 = arith.index_cast %get3A_114 : i32 to index
      %get3A_116 = arith.index_cast %add3A_17 : i32 to index
      %get3A_117 = tpu.vector_load %arg5[%get3A_115, %get3A_116] {strides = array<i32>} : memref<20x512xi32, #tpu.memory_space<vmem>>, vector<16xi32>,
      %gather3A_118 = tpu.vector_load_idx %arg6[%get3A_117] : memref<8192xf32, #tpu.memory_space<vmem>>[vector<16xi32>], vector<16xf32>,
      %mul3A_119 = arith.mulf %gather3A, %gather3A_28 : vector<16xf32>
      %mul3A_120 = arith.mulf %gather3A_33, %gather3A_38 : vector<16xf32>
      %mul3A_121 = arith.mulf %gather3A_43, %gather3A_48 : vector<16xf32>
      %mul3A_122 = arith.mulf %gather3A_53, %gather3A_58 : vector<16xf32>
      %mul3A_123 = arith.mulf %gather3A_63, %gather3A_68 : vector<16xf32>
      %mul3A_124 = arith.mulf %gather3A_73, %gather3A_78 : vector<16xf32>
      %mul3A_125 = arith.mulf %gather3A_83, %gather3A_88 : vector<16xf32>
      %mul3A_126 = arith.mulf %gather3A_93, %gather3A_98 : vector<16xf32>
      %mul3A_127 = arith.mulf %gather3A_103, %gather3A_108 : vector<16xf32>
      %mul3A_128 = arith.mulf %gather3A_113, %gather3A_118 : vector<16xf32>
      %mul3A_129 = arith.mulf %mul3A_119, %mul3A_120 : vector<16xf32>
      %mul3A_130 = arith.mulf %mul3A_121, %mul3A_122 : vector<16xf32>
      %mul3A_131 = arith.mulf %mul3A_123, %mul3A_124 : vector<16xf32>
      %mul3A_132 = arith.mulf %mul3A_125, %mul3A_126 : vector<16xf32>
      %mul3A_133 = arith.mulf %mul3A_127, %mul3A_128 : vector<16xf32>
      %mul3A_134 = arith.mulf %mul3A_129, %mul3A_130 : vector<16xf32>
      %mul3A_135 = arith.mulf %mul3A_131, %mul3A_132 : vector<16xf32>
      %mul3A_136 = arith.mulf %mul3A_134, %mul3A_135 : vector<16xf32>
      %mul3A_137 = arith.mulf %mul3A_136, %mul3A_133 : vector<16xf32>
      %swap3A = arith.index_cast %add3A_17 : i32 to index
      %swap3A_138 = tpu.vector_load %arg7[%swap3A] {strides = array<i32>} : memref<512xf32, #tpu.memory_space<vmem>>, vector<16xf32>,
      tpu.vector_store %arg7[%swap3A], %mul3A_137 {strides = array<i32>} : memref<512xf32, #tpu.memory_space<vmem>>, vector<16xf32>,
      %add3A_139 = arith.constant 16 : i32
      %add3A_140 = arith.addi %add3A_17, %add3A_139 : i32
      %get3A_141 = arith.constant 0 : i32
      %get3A_142 = arith.index_cast %get3A_141 : i32 to index
      %get3A_143 = arith.index_cast %add3A_140 : i32 to index
      %get3A_144 = tpu.vector_load %arg5[%get3A_142, %get3A_143] {strides = array<i32>} : memref<20x512xi32, #tpu.memory_space<vmem>>, vector<16xi32>,
      %add3A_145 = arith.constant 4096 : i32
      %add3A_146 = vector.broadcast %add3A_145 : i32 to vector<16xi32>
      %add3A_147 = arith.addi %get3A_144, %add3A_146 : vector<16xi32>
      %gather3A_148 = tpu.vector_load_idx %arg6[%add3A_147] : memref<8192xf32, #tpu.memory_space<vmem>>[vector<16xi32>], vector<16xf32>,
      %get3A_149 = arith.constant 1 : i32
      %get3A_150 = arith.index_cast %get3A_149 : i32 to index
      %get3A_151 = arith.index_cast %add3A_140 : i32 to index
      %get3A_152 = tpu.vector_load %arg5[%get3A_150, %get3A_151] {strides = array<i32>} : memref<20x512xi32, #tpu.memory_space<vmem>>, vector<16xi32>,
      %gather3A_153 = tpu.vector_load_idx %arg6[%get3A_152] : memref<8192xf32, #tpu.memory_space<vmem>>[vector<16xi32>], vector<16xf32>,
      %get3A_154 = arith.constant 2 : i32
      %get3A_155 = arith.index_cast %get3A_154 : i32 to index
      %get3A_156 = arith.index_cast %add3A_140 : i32 to index
      %get3A_157 = tpu.vector_load %arg5[%get3A_155, %get3A_156] {strides = array<i32>} : memref<20x512xi32, #tpu.memory_space<vmem>>, vector<16xi32>,
      %gather3A_158 = tpu.vector_load_idx %arg6[%get3A_157] : memref<8192xf32, #tpu.memory_space<vmem>>[vector<16xi32>], vector<16xf32>,
      %get3A_159 = arith.constant 3 : i32
      %get3A_160 = arith.index_cast %get3A_159 : i32 to index
      %get3A_161 = arith.index_cast %add3A_140 : i32 to index
      %get3A_162 = tpu.vector_load %arg5[%get3A_160, %get3A_161] {strides = array<i32>} : memref<20x512xi32, #tpu.memory_space<vmem>>, vector<16xi32>,
      %gather3A_163 = tpu.vector_load_idx %arg6[%get3A_162] : memref<8192xf32, #tpu.memory_space<vmem>>[vector<16xi32>], vector<16xf32>,
      %get3A_164 = arith.constant 4 : i32
      %get3A_165 = arith.index_cast %get3A_164 : i32 to index
      %get3A_166 = arith.index_cast %add3A_140 : i32 to index
      %get3A_167 = tpu.vector_load %arg5[%get3A_165, %get3A_166] {strides = array<i32>} : memref<20x512xi32, #tpu.memory_space<vmem>>, vector<16xi32>,
      %gather3A_168 = tpu.vector_load_idx %arg6[%get3A_167] : memref<8192xf32, #tpu.memory_space<vmem>>[vector<16xi32>], vector<16xf32>,
      %get3A_169 = arith.constant 5 : i32
      %get3A_170 = arith.index_cast %get3A_169 : i32 to index
      %get3A_171 = arith.index_cast %add3A_140 : i32 to index
      %get3A_172 = tpu.vector_load %arg5[%get3A_170, %get3A_171] {strides = array<i32>} : memref<20x512xi32, #tpu.memory_space<vmem>>, vector<16xi32>,
      %gather3A_173 = tpu.vector_load_idx %arg6[%get3A_172] : memref<8192xf32, #tpu.memory_space<vmem>>[vector<16xi32>], vector<16xf32>,
      %get3A_174 = arith.constant 6 : i32
      %get3A_175 = arith.index_cast %get3A_174 : i32 to index
      %get3A_176 = arith.index_cast %add3A_140 : i32 to index
      %get3A_177 = tpu.vector_load %arg5[%get3A_175, %get3A_176] {strides = array<i32>} : memref<20x512xi32, #tpu.memory_space<vmem>>, vector<16xi32>,
      %gather3A_178 = tpu.vector_load_idx %arg6[%get3A_177] : memref<8192xf32, #tpu.memory_space<vmem>>[vector<16xi32>], vector<16xf32>,
      %get3A_179 = arith.constant 7 : i32
      %get3A_180 = arith.index_cast %get3A_179 : i32 to index
      %get3A_181 = arith.index_cast %add3A_140 : i32 to index
      %get3A_182 = tpu.vector_load %arg5[%get3A_180, %get3A_181] {strides = array<i32>} : memref<20x512xi32, #tpu.memory_space<vmem>>, vector<16xi32>,
      %gather3A_183 = tpu.vector_load_idx %arg6[%get3A_182] : memref<8192xf32, #tpu.memory_space<vmem>>[vector<16xi32>], vector<16xf32>,
      %get3A_184 = arith.constant 8 : i32
      %get3A_185 = arith.index_cast %get3A_184 : i32 to index
      %get3A_186 = arith.index_cast %add3A_140 : i32 to index
      %get3A_187 = tpu.vector_load %arg5[%get3A_185, %get3A_186] {strides = array<i32>} : memref<20x512xi32, #tpu.memory_space<vmem>>, vector<16xi32>,
      %gather3A_188 = tpu.vector_load_idx %arg6[%get3A_187] : memref<8192xf32, #tpu.memory_space<vmem>>[vector<16xi32>], vector<16xf32>,
      %get3A_189 = arith.constant 9 : i32
      %get3A_190 = arith.index_cast %get3A_189 : i32 to index
      %get3A_191 = arith.index_cast %add3A_140 : i32 to index
      %get3A_192 = tpu.vector_load %arg5[%get3A_190, %get3A_191] {strides = array<i32>} : memref<20x512xi32, #tpu.memory_space<vmem>>, vector<16xi32>,
      %gather3A_193 = tpu.vector_load_idx %arg6[%get3A_192] : memref<8192xf32, #tpu.memory_space<vmem>>[vector<16xi32>], vector<16xf32>,
      %get3A_194 = arith.constant 10 : i32
      %get3A_195 = arith.index_cast %get3A_194 : i32 to index
      %get3A_196 = arith.index_cast %add3A_140 : i32 to index
      %get3A_197 = tpu.vector_load %arg5[%get3A_195, %get3A_196] {strides = array<i32>} : memref<20x512xi32, #tpu.memory_space<vmem>>, vector<16xi32>,
      %gather3A_198 = tpu.vector_load_idx %arg6[%get3A_197] : memref<8192xf32, #tpu.memory_space<vmem>>[vector<16xi32>], vector<16xf32>,
      %get3A_199 = arith.constant 11 : i32
      %get3A_200 = arith.index_cast %get3A_199 : i32 to index
      %get3A_201 = arith.index_cast %add3A_140 : i32 to index
      %get3A_202 = tpu.vector_load %arg5[%get3A_200, %get3A_201] {strides = array<i32>} : memref<20x512xi32, #tpu.memory_space<vmem>>, vector<16xi32>,
      %gather3A_203 = tpu.vector_load_idx %arg6[%get3A_202] : memref<8192xf32, #tpu.memory_space<vmem>>[vector<16xi32>], vector<16xf32>,
      %get3A_204 = arith.constant 12 : i32
      %get3A_205 = arith.index_cast %get3A_204 : i32 to index
      %get3A_206 = arith.index_cast %add3A_140 : i32 to index
      %get3A_207 = tpu.vector_load %arg5[%get3A_205, %get3A_206] {strides = array<i32>} : memref<20x512xi32, #tpu.memory_space<vmem>>, vector<16xi32>,
      %gather3A_208 = tpu.vector_load_idx %arg6[%get3A_207] : memref<8192xf32, #tpu.memory_space<vmem>>[vector<16xi32>], vector<16xf32>,
      %get3A_209 = arith.constant 13 : i32
      %get3A_210 = arith.index_cast %get3A_209 : i32 to index
      %get3A_211 = arith.index_cast %add3A_140 : i32 to index
      %get3A_212 = tpu.vector_load %arg5[%get3A_210, %get3A_211] {strides = array<i32>} : memref<20x512xi32, #tpu.memory_space<vmem>>, vector<16xi32>,
      %gather3A_213 = tpu.vector_load_idx %arg6[%get3A_212] : memref<8192xf32, #tpu.memory_space<vmem>>[vector<16xi32>], vector<16xf32>,
      %get3A_214 = arith.constant 14 : i32
      %get3A_215 = arith.index_cast %get3A_214 : i32 to index
      %get3A_216 = arith.index_cast %add3A_140 : i32 to index
      %get3A_217 = tpu.vector_load %arg5[%get3A_215, %get3A_216] {strides = array<i32>} : memref<20x512xi32, #tpu.memory_space<vmem>>, vector<16xi32>,
      %gather3A_218 = tpu.vector_load_idx %arg6[%get3A_217] : memref<8192xf32, #tpu.memory_space<vmem>>[vector<16xi32>], vector<16xf32>,
      %get3A_219 = arith.constant 15 : i32
      %get3A_220 = arith.index_cast %get3A_219 : i32 to index
      %get3A_221 = arith.index_cast %add3A_140 : i32 to index
      %get3A_222 = tpu.vector_load %arg5[%get3A_220, %get3A_221] {strides = array<i32>} : memref<20x512xi32, #tpu.memory_space<vmem>>, vector<16xi32>,
      %gather3A_223 = tpu.vector_load_idx %arg6[%get3A_222] : memref<8192xf32, #tpu.memory_space<vmem>>[vector<16xi32>], vector<16xf32>,
      %get3A_224 = arith.constant 16 : i32
      %get3A_225 = arith.index_cast %get3A_224 : i32 to index
      %get3A_226 = arith.index_cast %add3A_140 : i32 to index
      %get3A_227 = tpu.vector_load %arg5[%get3A_225, %get3A_226] {strides = array<i32>} : memref<20x512xi32, #tpu.memory_space<vmem>>, vector<16xi32>,
      %gather3A_228 = tpu.vector_load_idx %arg6[%get3A_227] : memref<8192xf32, #tpu.memory_space<vmem>>[vector<16xi32>], vector<16xf32>,
      %get3A_229 = arith.constant 17 : i32
      %get3A_230 = arith.index_cast %get3A_229 : i32 to index
      %get3A_231 = arith.index_cast %add3A_140 : i32 to index
      %get3A_232 = tpu.vector_load %arg5[%get3A_230, %get3A_231] {strides = array<i32>} : memref<20x512xi32, #tpu.memory_space<vmem>>, vector<16xi32>,
      %gather3A_233 = tpu.vector_load_idx %arg6[%get3A_232] : memref<8192xf32, #tpu.memory_space<vmem>>[vector<16xi32>], vector<16xf32>,
      %get3A_234 = arith.constant 18 : i32
      %get3A_235 = arith.index_cast %get3A_234 : i32 to index
      %get3A_236 = arith.index_cast %add3A_140 : i32 to index
      %get3A_237 = tpu.vector_load %arg5[%get3A_235, %get3A_236] {strides = array<i32>} : memref<20x512xi32, #tpu.memory_space<vmem>>, vector<16xi32>,
      %gather3A_238 = tpu.vector_load_idx %arg6[%get3A_237] : memref<8192xf32, #tpu.memory_space<vmem>>[vector<16xi32>], vector<16xf32>,
      %get3A_239 = arith.constant 19 : i32
      %get3A_240 = arith.index_cast %get3A_239 : i32 to index
      %get3A_241 = arith.index_cast %add3A_140 : i32 to index
      %get3A_242 = tpu.vector_load %arg5[%get3A_240, %get3A_241] {strides = array<i32>} : memref<20x512xi32, #tpu.memory_space<vmem>>, vector<16xi32>,
      %gather3A_243 = tpu.vector_load_idx %arg6[%get3A_242] : memref<8192xf32, #tpu.memory_space<vmem>>[vector<16xi32>], vector<16xf32>,
      %mul3A_244 = arith.mulf %gather3A_148, %gather3A_153 : vector<16xf32>
      %mul3A_245 = arith.mulf %gather3A_158, %gather3A_163 : vector<16xf32>
      %mul3A_246 = arith.mulf %gather3A_168, %gather3A_173 : vector<16xf32>
      %mul3A_247 = arith.mulf %gather3A_178, %gather3A_183 : vector<16xf32>
      %mul3A_248 = arith.mulf %gather3A_188, %gather3A_193 : vector<16xf32>
      %mul3A_249 = arith.mulf %gather3A_198, %gather3A_203 : vector<16xf32>
      %mul3A_250 = arith.mulf %gather3A_208, %gather3A_213 : vector<16xf32>
      %mul3A_251 = arith.mulf %gather3A_218, %gather3A_223 : vector<16xf32>
      %mul3A_252 = arith.mulf %gather3A_228, %gather3A_233 : vector<16xf32>
      %mul3A_253 = arith.mulf %gather3A_238, %gather3A_243 : vector<16xf32>
      %mul3A_254 = arith.mulf %mul3A_244, %mul3A_245 : vector<16xf32>
      %mul3A_255 = arith.mulf %mul3A_246, %mul3A_247 : vector<16xf32>
      %mul3A_256 = arith.mulf %mul3A_248, %mul3A_249 : vector<16xf32>
      %mul3A_257 = arith.mulf %mul3A_250, %mul3A_251 : vector<16xf32>
      %mul3A_258 = arith.mulf %mul3A_252, %mul3A_253 : vector<16xf32>
      %mul3A_259 = arith.mulf %mul3A_254, %mul3A_255 : vector<16xf32>
      %mul3A_260 = arith.mulf %mul3A_256, %mul3A_257 : vector<16xf32>
      %mul3A_261 = arith.mulf %mul3A_259, %mul3A_260 : vector<16xf32>
      %mul3A_262 = arith.mulf %mul3A_261, %mul3A_258 : vector<16xf32>
      %swap3A_263 = arith.index_cast %add3A_140 : i32 to index
      %swap3A_264 = tpu.vector_load %arg7[%swap3A_263] {strides = array<i32>} : memref<512xf32, #tpu.memory_space<vmem>>, vector<16xf32>,
      tpu.vector_store %arg7[%swap3A_263], %mul3A_262 {strides = array<i32>} : memref<512xf32, #tpu.memory_space<vmem>>, vector<16xf32>,
    }
    %scan3A_12 = arith.constant 16 : i32
    "tpu.region"() ({
      %run_scoped3A = tpu.sem_alloc : memref<!tpu.dma_semaphore, #tpu.memory_space<semaphore_mem>>
      %dma_start3A_13 = tpu.memref_slice %arg4[%mul3A_2] : memref<16384xf32, #tpu.memory_space<hbm>> -> memref<512xf32, #tpu.memory_space<hbm>>
      %dma_start3A_14 = tpu.memref_slice %arg4[%mul3A_2] : memref<16384xf32, #tpu.memory_space<hbm>> -> memref<512xf32, #tpu.memory_space<hbm>>
      tpu.enqueue_dma source(%arg7 : memref<512xf32, #tpu.memory_space<vmem>>) target(%dma_start3A_14 : memref<512xf32, #tpu.memory_space<hbm>>) target_semaphore(%run_scoped3A : memref<!tpu.dma_semaphore, #tpu.memory_space<semaphore_mem>>)
      %dma_wait3A_15 = tpu.memref_slice %arg4[%mul3A_2] : memref<16384xf32, #tpu.memory_space<hbm>> -> memref<512xf32, #tpu.memory_space<hbm>>
      %dma_wait3A_16 = tpu.memref_slice %arg4[%mul3A_2] : memref<16384xf32, #tpu.memory_space<hbm>> -> memref<512xf32, #tpu.memory_space<hbm>>
      tpu.wait_dma2 semaphore(%run_scoped3A : memref<!tpu.dma_semaphore, #tpu.memory_space<semaphore_mem>>) src(%arg7 : memref<512xf32, #tpu.memory_space<vmem>>) dst(%dma_wait3A_16 : memref<512xf32, #tpu.memory_space<hbm>>)
      tpu.yield
    }) : () -> ()
    return
  }
}

module attributes {stable_mosaic.version = 14 : i64} {
  func.func @_table_body(%arg0: memref<32x128xf32, #tpu.memory_space<vmem>>, %arg1: memref<1x1xf32, #tpu.memory_space<vmem>>, %arg2: memref<64x128xf32, #tpu.memory_space<vmem>>) attributes {dimension_semantics = [], scalar_prefetch = 0 : i64, scratch_operands = 0 : i64, tpu.core_type = #tpu.core_type<tc>} {
    %get3A = arith.constant 0 : index
    %get3A_0 = arith.constant 0 : index
    %get3A_1 = vector.load %arg0[%get3A, %get3A_0] : memref<32x128xf32, #tpu.memory_space<vmem>>, vector<32x128xf32>
    %max3A = arith.constant 0.000000e+00 : f32
    %max3A_2 = vector.broadcast %max3A : f32 to vector<32x128xf32>
    %max3A_3 = arith.maximumf %get3A_1, %max3A_2 : vector<32x128xf32>
    %abs3A = math.absf %get3A_1 : vector<32x128xf32>
    %neg3A = arith.constant 0.000000e+00 : f32
    %neg3A_4 = vector.broadcast %neg3A : f32 to vector<32x128xf32>
    %neg3A_5 = arith.subf %neg3A_4, %abs3A : vector<32x128xf32>
    %exp3A = math.exp %neg3A_5 : vector<32x128xf32>
    %log1p3A = math.log1p %exp3A : vector<32x128xf32>
    %add3A = arith.addf %max3A_3, %log1p3A : vector<32x128xf32>
    %slice3A = vector.extract_strided_slice %add3A {offsets = [0, 0], sizes = [32, 64], strides = [1, 1]} : vector<32x128xf32> to vector<32x64xf32>
    %slice3A_6 = vector.extract_strided_slice %add3A {offsets = [0, 64], sizes = [32, 64], strides = [1, 1]} : vector<32x128xf32> to vector<32x64xf32>
    %concatenate3A = tpu.concatenate %slice3A, %slice3A_6 in 0 : vector<32x64xf32>, vector<32x64xf32> -> vector<64x64xf32>
    %dot_general3A = arith.constant dense<0.000000e+00> : vector<64x64xf32>
    %dot_general3A_7 = tpu.matmul %concatenate3A, %concatenate3A, %dot_general3A {dimension_numbers = #tpu.dot_dimension_numbers<[1], [1], [0], [0], [0, 0, 1, 0], [], []>, transpose_lhs_hint = false} : vector<64x64xf32>, vector<64x64xf32>, vector<64x64xf32> -> vector<64x64xf32>
    %mul3A = arith.mulf %dot_general3A_7, %dot_general3A_7 : vector<64x64xf32>
    %reduce_sum3A = vector.shape_cast %mul3A : vector<64x64xf32> to vector<1x64x64xf32>
    %reduce_sum3A_8 = arith.constant dense<0.000000e+00> : vector<1xf32>
    %reduce_sum3A_9 = vector.multi_reduction <add>, %reduce_sum3A, %reduce_sum3A_8 [1, 2] : vector<1x64x64xf32> to vector<1xf32>
    %reduce_sum3A_10 = vector.shape_cast %reduce_sum3A_9 : vector<1xf32> to vector<1x1x1xf32>
    %reduce_sum3A_11 = vector.extract %reduce_sum3A_10[0, 0, 0] : f32 from vector<1x1x1xf32>
    %sqrt3A = math.sqrt %reduce_sum3A_11 : f32
    %div3A = arith.constant 1.000000e+00 : f32
    %div3A_12 = arith.divf %div3A, %sqrt3A : f32
    %iota3A = tpu.iota {dimensions = array<i32: 0>} : vector<64x64xi32>
    %iota3A_13 = tpu.iota {dimensions = array<i32: 1>} : vector<64x64xi32>
    %shift_right_arithmetic3A = arith.constant 1 : i32
    %shift_right_arithmetic3A_14 = vector.broadcast %shift_right_arithmetic3A : i32 to vector<64x64xi32>
    %shift_right_arithmetic3A_15 = arith.shrsi %iota3A, %shift_right_arithmetic3A_14 : vector<64x64xi32>
    %and3A = arith.constant 1 : i32
    %and3A_16 = vector.broadcast %and3A : i32 to vector<64x64xi32>
    %and3A_17 = arith.andi %iota3A, %and3A_16 : vector<64x64xi32>
    %shift_left3A = arith.constant 5 : i32
    %shift_left3A_18 = vector.broadcast %shift_left3A : i32 to vector<64x64xi32>
    %shift_left3A_19 = arith.shli %and3A_17, %shift_left3A_18 : vector<64x64xi32>
    %or3A = arith.ori %shift_right_arithmetic3A_15, %shift_left3A_19 : vector<64x64xi32>
    %eq3A = arith.cmpi eq, %iota3A_13, %or3A : vector<64x64xi32>
    %jit3A = arith.constant 0.000000e+00 : f32
    %broadcast_in_dim3A = vector.broadcast %div3A_12 : f32 to vector<64x64xf32>
    %broadcast_in_dim3A_20 = vector.broadcast %jit3A : f32 to vector<64x64xf32>
    %select_n3A = arith.select %eq3A, %broadcast_in_dim3A, %broadcast_in_dim3A_20 : vector<64x64xi1>, vector<64x64xf32>
    %dot_general3A_21 = arith.constant dense<0.000000e+00> : vector<64x64xf32>
    %dot_general3A_22 = tpu.matmul %dot_general3A_7, %select_n3A, %dot_general3A_21 {dimension_numbers = #tpu.dot_dimension_numbers<[1], [1], [0], [0], [0, 0, 1, 0], [], []>, transpose_lhs_hint = false} : vector<64x64xf32>, vector<64x64xf32>, vector<64x64xf32> -> vector<64x64xf32>
    %slice3A_23 = vector.extract_strided_slice %dot_general3A_22 {offsets = [0, 0], sizes = [32, 64], strides = [1, 1]} : vector<64x64xf32> to vector<32x64xf32>
    %slice3A_24 = vector.extract_strided_slice %dot_general3A_22 {offsets = [32, 0], sizes = [32, 64], strides = [1, 1]} : vector<64x64xf32> to vector<32x64xf32>
    %concatenate3A_25 = tpu.concatenate %slice3A_23, %slice3A_24 in 1 : vector<32x64xf32>, vector<32x64xf32> -> vector<32x128xf32>
    %get3A_26 = arith.constant 0 : index
    %get3A_27 = arith.constant 0 : index
    %get3A_28 = vector.load %arg1[%get3A_26, %get3A_27] : memref<1x1xf32, #tpu.memory_space<vmem>>, vector<1x1xf32>
    %get3A_29 = vector.extract %get3A_28[0, 0] : f32 from vector<1x1xf32>
    %mul3A_30 = vector.broadcast %get3A_29 : f32 to vector<32x128xf32>
    %mul3A_31 = arith.mulf %concatenate3A_25, %mul3A_30 : vector<32x128xf32>
    %concatenate3A_32 = tpu.concatenate %concatenate3A_25, %mul3A_31 in 0 : vector<32x128xf32>, vector<32x128xf32> -> vector<64x128xf32>
    %swap3A = arith.constant 0 : index
    %swap3A_33 = arith.constant 0 : index
    %swap3A_34 = vector.load %arg2[%swap3A, %swap3A_33] : memref<64x128xf32, #tpu.memory_space<vmem>>, vector<64x128xf32>
    tpu.vector_store %arg2[%swap3A, %swap3A_33], %concatenate3A_32 {strides = array<i32>} : memref<64x128xf32, #tpu.memory_space<vmem>>, vector<64x128xf32>,
    return
  }
}

</mosaic_0001>

<sc_bundles>
// kernel: kernel.4.cloned.1.call-start
scs
__scs_entry_jumppad:
0x0: {  	(pc) =	sbr.rel $0x88, $3  }
0x1: {  	(tag) =	ssettag $0x0;
	lr =	simm.s32 $0x1  }
0x2: {  	[smem:$0x3F9E] =	sst lr;
	_ =	strace $0xD0000000  }
0x3: {  	_ = 	snop  }
0x4: {  	_ = 	snop  }
0x5: {  	_ = 	snop  }
0x6: {  	_ = 	snop  }
0x7: {  	_ = 	snop  }
__scs_overlays_trampoline_lowered:
0x8: {  	[smem:$0x3FAD] =	sst s0  }
0x9: {  	[smem:$0x3FAE] =	sst s1  }
0xa: {  	[smem:$0x3FAF] =	sst s2  }
0xb: {  	[smem:$0x3FB0] =	sst s3  }
0xc: {  	[smem:$0x3FB1] =	sst s4  }
0xd: {  	[smem:$0x3FB2] =	sst s5  }
0xe: {  	[smem:$0x3FB3] =	sst s6  }
0xf: {  	[smem:$0x3FB4] =	sst s7  }
0x10: {  	[smem:$0x3FB5] =	sst s8  }
0x11: {  	[smem:$0x3FB6] =	sst s9;
	s0 =	simm.s32 @!p0 $0x0  }
0x12: {  	s1 =	sld [smem:$0x3F9C];
	s0 =	simm.s32 @p0 $0x1  }
0x13: {  	[smem:$0x3FB7] =	sst s0;
	s0 =	simm.s32 @!p1 $0x0  }
0x14: {  	s2 =	sld [smem:$0x3F9B];
	s0 =	simm.s32 @p1 $0x1  }
0x15: {  	[smem:$0x3FB8] =	sst s0;
	s0 =	simm.s32 @!p2 $0x0  }
0x16: {  	s3 =	sld [smem:$0x3FDB];
	s0 =	simm.s32 @p2 $0x1  }
0x17: {  	s4 =	simm.s32 $0x1BF5;
	[smem:$0x3FBA] =	sst s0  }
0x18: {  	s0 =	sld [smem:$0x3F9D];
	_ =	swait.ge [sflag:s4], $0x0  }
0x19: {  	s7 =	sld [smem:$0x3F9E]  }
0x1a: {  	s8 =	sadd.s32 $0xFFFFE003, lr  }
0x1b: {  	s9 =	sadd.s32 $0xFFFFFEF7, lr;
	s5 =	simm.s32 $0xFFFFFFFF;
	p2 =	slt.u32 s8, $0xFFFFF086  }
0x1c: {  	p1 =	slt.u32 s9, $0xF7A;
	s5 =	simm.s32 @!p2 $0x0  }
0x1d: {  	s5 =	simm.s32 @p1 $0x1;
	p0 =	seq.s32 s7, s2  }
0x1e: {  	s7 =	smul.u32 @!p0 $0xF7A, s2;
	p2 =	seq.s32 @!p0 s5, $0x0  }
0x1f: {  	s9 =	smul.u32 $0xF7A, s1;
	s8 =	simm.s32 @!p0 $0x1BF5;
	p2 =	por !p2, p0  }
0x20: {  	[sflag:s8] =	ssyncset.s32 @!p0 $0xFFFFF086;
	s6 =	sadd.s32 @!p0 s3, s7;
	s7 =	simm.s32 @!p0 $0x108  }
0x21: {  	s3 =	sadd.s32 s3, s9;
	s6 =	sadd.s32 @!p0 $0x88, s6;
	s7 =	simm.s32 @p2 $0x1082  }
0x22: {  	[simem:s7], [sflag:s8] =	dma.local @!p0 [hbm:s6], $0xF7A  }
0x23: {  	s9 =	sor.u32 $0xD0000000, s2;
	s6 =	simm.s32 $0x108;
	_ =	swait.ge @!p0 [sflag:s8], $0x0  }
0x24: {  	s3 =	sadd.s32 $0x88, s3;
	s6 =	simm.s32 @!p1 $0x1082;
	[sflag:s4] =	ssyncset.s32 $0xFFFFF086  }
0x25: {  	[simem:s6], [sflag:s4] =	dma.local [hbm:s3], $0xF7A  }
0x26: {  	[smem:$0x3F9E] =	sst s1;
	(tag) =	ssettag s2;
	_ =	strace s9  }
0x27: {  	s1 =	sld [smem:$0x3FAE]  }
0x28: {  	s2 =	sld [smem:$0x3FAF]  }
0x29: {  	s4 =	sld [smem:$0x3FB1]  }
0x2a: {  	p0 =	seq.s32 s5, $0x0;
	s5 =	sld [smem:$0x3FB2]  }
0x2b: {  	s6 =	sld [smem:$0x3FB3]  }
0x2c: {  	s7 =	sld [smem:$0x3FB4]  }
0x2d: {  	s3 =	simm.s32 $0x108;
	s8 =	sld [smem:$0x3FB5]  }
0x2e: {  	s3 =	simm.s32 @!p0 $0x1082;
	s9 =	sld [smem:$0x3FB6]  }
0x2f: {  	lr =	sadd.s32 s0, s3;
	s0 =	sld [smem:$0x3FAD]  }
0x30: {  	s3 =	sld [smem:$0x3FB0]  }
0x31: {  	[smem:$0x3FB9] =	sst s10  }
0x32: {  	s10 =	sld [smem:$0x3FB7];
	_ =	sdelay $0x3  }
0x33: {  	p0 =	seq.s32 s10, $0x1;
	s10 =	sld [smem:$0x3FB9];
	_ =	sdelay $0x3  }
0x34: {  	[smem:$0x3FB9] =	sst s10  }
0x35: {  	s10 =	sld [smem:$0x3FB8];
	_ =	sdelay $0x3  }
0x36: {  	p1 =	seq.s32 s10, $0x1;
	s10 =	sld [smem:$0x3FB9];
	_ =	sdelay $0x3  }
0x37: {  	[smem:$0x3FB9] =	sst s10  }
0x38: {  	s10 =	sld [smem:$0x3FBA]  }
0x39: {  	_ = 	snop;
	(pc) =	sbr.ind lr, $3  }
0x3a: {  	_ = 	snop  }
0x3b: {  	_ = 	snop  }
0x3c: {  	p2 =	seq.s32 s10, $0x1;
	s10 =	sld [smem:$0x3FB9]  }
0x3d: {  	_ =	shalt  }
0x3e: {  	_ =	shalt  }
0x3f: {  	_ =	shalt  }
0x40: {  	_ =	shalt  }
0x41: {  	_ =	shalt  }
0x42: {  	_ =	shalt  }
0x43: {  	_ =	shalt  }
0x44: {  	_ =	shalt  }
0x45: {  	_ =	shalt  }
0x46: {  	_ =	shalt  }
0x47: {  	_ =	shalt  }
0x48: {  	_ =	shalt  }
0x49: {  	_ =	shalt  }
0x4a: {  	_ =	shalt  }
0x4b: {  	_ =	shalt  }
0x4c: {  	_ =	shalt  }
0x4d: {  	_ =	shalt  }
0x4e: {  	_ =	shalt  }
0x4f: {  	_ =	shalt  }
0x50: {  	_ =	shalt  }
0x51: {  	_ =	shalt  }
0x52: {  	_ =	shalt  }
0x53: {  	_ =	shalt  }
0x54: {  	_ =	shalt  }
0x55: {  	_ =	shalt  }
0x56: {  	_ =	shalt  }
0x57: {  	_ =	shalt  }
0x58: {  	_ =	shalt  }
0x59: {  	_ =	shalt  }
0x5a: {  	_ =	shalt  }
0x5b: {  	_ =	shalt  }
0x5c: {  	_ =	shalt  }
0x5d: {  	_ =	shalt  }
0x5e: {  	_ =	shalt  }
0x5f: {  	_ =	shalt  }
0x60: {  	_ =	shalt  }
0x61: {  	_ =	shalt  }
0x62: {  	_ =	shalt  }
0x63: {  	_ =	shalt  }
0x64: {  	_ =	shalt  }
0x65: {  	_ =	shalt  }
0x66: {  	_ =	shalt  }
0x67: {  	_ =	shalt  }
0x68: {  	_ =	shalt  }
0x69: {  	_ =	shalt  }
0x6a: {  	_ =	shalt  }
0x6b: {  	_ =	shalt  }
0x6c: {  	_ =	shalt  }
0x6d: {  	_ =	shalt  }
0x6e: {  	_ =	shalt  }
0x6f: {  	_ =	shalt  }
0x70: {  	_ =	shalt  }
0x71: {  	_ =	shalt  }
0x72: {  	_ =	shalt  }
0x73: {  	_ =	shalt  }
0x74: {  	_ =	shalt  }
0x75: {  	_ =	shalt  }
0x76: {  	_ =	shalt  }
0x77: {  	_ =	shalt  }
0x78: {  	_ =	shalt  }
0x79: {  	_ =	shalt  }
0x7a: {  	_ =	shalt  }
0x7b: {  	_ =	shalt  }
0x7c: {  	_ =	shalt  }
0x7d: {  	_ =	shalt  }
0x7e: {  	_ =	shalt  }
0x7f: {  	_ =	shalt  }
0x80: {  	_ =	shalt  }
0x81: {  	_ =	shalt  }
0x82: {  	_ =	shalt  }
0x83: {  	_ =	shalt  }
0x84: {  	_ =	shalt  }
0x85: {  	_ =	shalt  }
0x86: {  	_ =	shalt  }
0x87: {  	_ =	shalt  }
.Lfunc_end0:
.L_simem_size_0:
called_computation_lowered:
.L_overlay_start_0:
0x88: {  	s2 =	sld [smem:$0x3FD9]  }
0x89: {  	s3 =	sld [smem:$0x3FFE];
	_ =	sdelay $0x1  }
0x8a: {  	s1 =	srdreg.scid  }
0x8b: {  	s0 =	sand.u32 $0x1, s1  }
0x8c: {  	s17 =	sshll.u32 s0, $0xA;
	s2 =	sadd.s32 s3, s2  }
0x8d: {  	s2 =	sadd.s32 s2, s17  }
0x8e: {  	[smem:$0x3FC5] =	sst s2  }
0x8f: {  	_ = 	snop  }
0x90: {  	s2 =	sld [smem:$0x3FC9]  }
0x91: {  	s18 =	sld [smem:$0x3FD0];
	(tm) =	ssettm $0x1  }
0x92: {  	s4 =	sld [smem:$0x3FFB];
	_ =	sdelay $0x3  }
0x93: {  	_ =	strace s4  }
0x94: {  	s4 =	sld [smem:$0x3FFC];
	_ =	sdelay $0x3  }
0x95: {  	_ =	strace s4  }
0x96: {  	s4 =	sld [smem:$0x3FFD];
	_ =	sdelay $0x3  }
0x97: {  	_ =	strace s4  }
0x98: {  	_ =	strace $0x8FFFFFFF  }
0x99: {  	s19 =	sld [smem:$0x3FDB];
	_ =	sdelay $0x1  }
0x9a: {  	s5 =	simm.s32 $_scs_section_size  }
0x9b: {  	s6 =	simm.s32 $_size__tile_overlayer_lowered;
	s7 =	simm.s32 $_tile_overlayer_lowered  }
0x9c: {  	s22 =	simm.s32 $0x1BFF;
	s21 =	sshll.u32 s7, $0x1;
	s4 =	sadd.s32 s5, s19  }
0x9d: {  	s8 =	simm.s32 $0x0;
	s20 =	sshll.u32 s6, $0x1;
	s6 =	sadd.s32 s21, s4  }
0x9e: {  	[timem:s8], [sflag:s22] =	dma.local [hbm:s6], s20  }
0x9f: {  	_ =	swait.ge [sflag:s22], s20  }
0xa0: {  	s5 =	ssub.s32 $0x0, s20;
	[sflag:s22] =	ssyncset.done $0x0  }
0xa1: {  	[sflag:s22] =	ssyncadd.s32 s5;
	_ =	sdelay $0x1  }
0xa2: {  	s23 =	simm.s32 $0x1B8B  }
0xa3: {  	_ =	swait.ge [sflag:s23], $0x1  }
0xa4: {  	[sflag:s23] =	ssyncset.done $0x0  }
0xa5: {  	s25 =	simm.s32 $0x1B8E;
	s24 =	sld [smem:$0x3FFE];
	[sflag:s23] =	ssyncadd.s32 $0xFFFFFFFF  }
0xa6: {  	s26 =	simm.s32 $execute0_lowered;
	[smem:$0x3FD2] =	sst s25  }
0xa7: {  	s6 =	sshll.u32 s26, $0x1;
	_ =	strace $0x80000046;
	[dreg:$0x1] =	wrdreg $0xFFFFFFFF  }
0xa8: {  	s28 =	simm.s32 $_size_execute0_lowered;
	s4 =	sadd.s32 s4, s6;
	[dreg:$0x0] =	wrdreg $0x0  }
0xa9: {  	s6 =	sshll.u32 s28, $0x1;
	[dreg:$0x2] =	wrdreg s4  }
0xaa: {  	[dreg:$0x3] =	wrdreg s6  }
0xab: {  	[dreg:$0x4] =	wrdreg $0xC0  }
0xac: {  	_ =	task [dreg:s8], $0x5FFFF  }
0xad: {  	[dreg:$0x1] =	wrdreg $0xFFFFFFFF  }
0xae: {  	[dreg:$0x0] =	wrdreg $0x60  }
0xaf: {  	[dreg:$0x2] =	wrdreg s2  }
0xb0: {  	[dreg:$0x3] =	wrdreg s24  }
0xb1: {  	[dreg:$0x4] =	wrdreg s18  }
0xb2: {  	[dreg:$0x5] =	wrdreg $0x9  }
0xb3: {  	_ =	task.clear_ibuf [dreg:s8], $0x6FFFF;
	_ =	strace $0x90000046  }
0xb4: {  	s29 =	simm.s32 $0x9;
	_ =	strace $0x80000048  }
0xb5: {  	_ =	swait.ge [sflag:s29], $0x1  }
0xb6: {  	[sflag:s29] =	ssyncadd.s32 $0xFFFFFFFF  }
0xb7: {  	_ =	strace $0x90000048  }
0xb8: {  	_ =	sfence  }
0xb9: {  	s30 =	sld [smem:$0x0];
	_ =	sdelay $0x2  }
0xba: {  	s31 =	sshll.u32 s1, $0xD;
	s1 =	sshrl.u32 s1, $0x2  }
0xbb: {  	s3 =	sand.u32 $0x4000, s31;
	s1 =	sadd.s32 s1, s30  }
0xbc: {  	s0 =	sor.u32 s3, s0;
	s1 =	sshll.u32 s1, $0x11  }
0xbd: {  	s0 =	sor.u32 s1, s0  }
0xbe: {  	s0 =	sadd.s32 $0x8F2B, s0  }
0xbf: {  	[sflag:s0] =	ssyncadd.remote.s32 $0x1  }
0xc0: {  	_ =	sfence.sel $0xFFFF  }
0xc1: {  	[dreg:$0x0] =	wrdreg $0xFFFFFFFF;
	(pc) =	sbr.abs _section_cstart, $3  }
0xc2: {  	[dreg:$0x1] =	wrdreg $0xFFFFFFFF  }
0xc3: {  	_ =	task.clear_ibuf [dreg:s8], $0x2FFFF;
	_ =	strace $0x9FFFFFFF  }
0xc4: {  	(tm) =	ssettm $0x7FFFFFFF  }
0xc5: {  	_ =	shalt  }
tec
execute0_lowered:
.L_overlay_start_1:
0x0: {  	(tag) =	ssettag $0x1  }
0x1: {  	s4 =	rddreg [dreg:$0x0]  }
0x2: {  	s3 =	rddreg [dreg:$0x1]  }
0x3: {  	s5 =	rddreg [dreg:$0x2]  }
0x4: {  	s2 =	simm.s32 $0x0;
	s6 =	srdreg.scid;
	s1 =	stileid.u32  }
0x5: {  	s10 =	simm.s32 $0x1;
	s11 =	simm.s32 $0x5000;
	s12 =	simm.s32 $0x2  }
0x6: {  	s13 =	simm.s32 $0x0;
	[smem:$0x7FF] =	sst s2;
	s6 =	sand.u32 $0x1, s6  }
0x7: {  	s8 =	sshll.u32 s1, $0xA;
	s3 =	sadd.s32 $0x800, s3;
	s7 =	ssub.s32 $0x2, s6  }
0x8: {  	_ =	strace $0x80000047;
	s6 =	sshll.u32 s6, $0x9;
	s9 =	sshrl.u32 s7, $0x1  }
0x9: {  	s6 =	sor.u32 s6, s8;
	s8 =	simm.s32 $0x1000;
	s7 =	ssub.s32 s7, s9  }
0xa: {  	s4 =	sadd.s32 s4, s6;
	s6 =	sshrl.u32 s6, $0x3;
	s9 =	simm.s32 $0x20000  }
0xb: {  	s5 =	sadd.s32 s5, s6;
	s6 =	smax.u32 s7, $0x1;
	s7 =	simm.s32 $0x3000  }
.LBB2_1:
0xc: {  	[tilespmem:s7], [sflag:$0x1] =	stream.linear.gather [hbm4b:s3+s2], $0x2000, $0x38;
	[tilespmem:$0x5200] =	vst v63  }
0xd: {  	_ = 	snop  }
0xe: {  	[tilespmem:s2], [sflag:$0x1] =	stream.strided.gather [hbm4b:s4+s8], $0x3000, s9, s8, $0x38;
	[tilespmem:$0x5200] =	vst v63  }
0xf: {  	_ =	swait.ge [sflag:s10], $0x2000  }
0x10: {  	[sflag:s10] =	ssyncset.done $0x0  }
0x11: {  	[sflag:s10] =	ssyncadd.s32 $0xFFFFE000  }
0x12: {  	_ =	swait.ge [sflag:s10], $0x3000  }
0x13: {  	s14 =	simm.s32 $0x5000;
	[sflag:s10] =	ssyncset.done $0x0  }
0x14: {  	s15 =	simm.s32 $0x0;
	s16 =	simm.s32 $0x0;
	[sflag:s10] =	ssyncadd.s32 $0xFFFFD000  }
.LBB2_2:
0x15: {  	s19 =	sand.u32 $0x60, s16;
	s17 =	sand.u32 $0xC00, s15  }
0x16: {  	s20 =	sor.u32 s19, s17  }
0x17: {  	v0 =	vld [tilespmem:s20+$0x0]  }
0x18: {  	v1 =	vld [tilespmem:s20+$0x80]  }
0x19: {  	v2 =	vld [tilespmem:s20+$0x100]  }
0x1a: {  	v3 =	vld [tilespmem:s20+$0x180]  }
0x1b: {  	v4 =	vld [tilespmem:s20+$0x200]  }
0x1c: {  	v5 =	vld [tilespmem:s20+$0x280]  }
0x1d: {  	s18 =	sor.u32 $0x1000, s17;
	v6 =	vld [tilespmem:s20+$0x300]  }
0x1e: {  	s24 =	sor.u32 $0x1280, s17;
	v7 =	vld [tilespmem:s20+$0x380];
	s21 =	sor.u32 s19, s18  }
0x1f: {  	s20 =	sor.u32 $0x1080, s17;
	s26 =	sor.u32 s19, s24;
	v8 =	vld [tilespmem:s21+$0x0]  }
0x20: {  	s22 =	sor.u32 s19, s20;
	s21 =	sor.u32 $0x1100, s17;
	v13 =	vld [tilespmem:s26+$0x0]  }
0x21: {  	s26 =	sor.u32 $0x1380, s17;
	v9 =	vld [tilespmem:s22+$0x0];
	s23 =	sor.u32 s19, s21  }
0x22: {  	s22 =	sor.u32 $0x1180, s17;
	s29 =	sor.u32 s19, s26;
	v10 =	vld [tilespmem:s23+$0x0]  }
0x23: {  	s0 =	sor.u32 s19, s22;
	s23 =	sor.u32 $0x1200, s17;
	v15 =	vld [tilespmem:s29+$0x0]  }
0x24: {  	s29 =	sor.u32 $0x2080, s17;
	v11 =	vld [tilespmem:s0+$0x0];
	s25 =	sor.u32 s19, s23  }
0x25: {  	s31 =	sor.u32 s19, s29;
	v12 =	vld [tilespmem:s25+$0x0];
	s25 =	sor.u32 $0x1300, s17  }
0x26: {  	v17 =	vld [tilespmem:s31+$0x0];
	s28 =	sor.u32 s19, s25  }
0x27: {  	v14 =	vld [tilespmem:s28+$0x0]  }
0x28: {  	v1 =	vld.idx.msk [tilespmem:v1+s7+$0x0], $0xffff  }
0x29: {  	v2 =	vld.idx.msk [tilespmem:v2+s7+$0x0], $0xffff  }
0x2a: {  	v3 =	vld.idx.msk [tilespmem:v3+s7+$0x0], $0xffff  }
0x2b: {  	v4 =	vld.idx.msk [tilespmem:v4+s7+$0x0], $0xffff  }
0x2c: {  	v5 =	vld.idx.msk [tilespmem:v5+s7+$0x0], $0xffff  }
0x2d: {  	v0 =	vadd.s32 $0x1000, v0;
	v6 =	vld.idx.msk [tilespmem:v6+s7+$0x0], $0xffff  }
0x2e: {  	s28 =	sor.u32 $0x2000, s17;
	v7 =	vld.idx.msk [tilespmem:v7+s7+$0x0], $0xffff  }
0x2f: {  	s30 =	sor.u32 s19, s28;
	v8 =	vld.idx.msk [tilespmem:v8+s7+$0x0], $0xffff  }
0x30: {  	v16 =	vld [tilespmem:s30+$0x0]  }
0x31: {  	v13 =	vld.idx.msk [tilespmem:v13+s7+$0x0], $0xffff  }
0x32: {  	v0 =	vld.idx.msk [tilespmem:v0+s7+$0x0], $0xffff  }
0x33: {  	s30 =	sor.u32 $0x2100, s17;
	v9 =	vld.idx.msk [tilespmem:v9+s7+$0x0], $0xffff  }
0x34: {  	s31 =	sor.u32 $0x2180, s17;
	s0 =	sor.u32 s19, s30;
	v10 =	vld.idx.msk [tilespmem:v10+s7+$0x0], $0xffff  }
0x35: {  	v18 =	vld [tilespmem:s0+$0x0];
	s0 =	sor.u32 s19, s31  }
0x36: {  	v19 =	vld [tilespmem:s0+$0x0]  }
0x37: {  	v15 =	vld.idx.msk [tilespmem:v15+s7+$0x0], $0xffff  }
0x38: {  	v11 =	vld.idx.msk [tilespmem:v11+s7+$0x0], $0xffff  }
0x39: {  	v12 =	vld.idx.msk [tilespmem:v12+s7+$0x0], $0xffff  }
0x3a: {  	v14 =	vld.idx.msk [tilespmem:v14+s7+$0x0], $0xffff  }
0x3b: {  	v17 =	vld.idx.msk [tilespmem:v17+s7+$0x0], $0xffff  }
0x3c: {  	v63 =	vmul.f32 v3, v2;
	v21 =	vmul.f32 v5, v4;
	v16 =	vld.idx.msk [tilespmem:v16+s7+$0x0], $0xffff  }
0x3d: {  	v22 =	vmul.f32 v7, v6;
	v0 =	vmul.f32 v1, v0;
	v18 =	vld.idx.msk [tilespmem:v18+s7+$0x0], $0xffff  }
0x3e: {  	v23 =	vmul.f32 v9, v8;
	v24 =	vmul.f32 v11, v10;
	v20 =	vld.idx.msk [tilespmem:v19+s7+$0x0], $0xffff  }
0x3f: {  	v25 =	vmul.f32 v13, v12;
	v26 =	vmul.f32 v15, v14  }
0x40: {  	v27 =	vmul.f32 v22, v21;
	v0 =	vmul.f32 v63, v0  }
0x41: {  	v28 =	vmul.f32 v24, v23;
	v29 =	vmul.f32 v26, v25  }
0x42: {  	v0 =	vmul.f32 v27, v0;
	v30 =	vmul.f32 v17, v16  }
0x43: {  	v31 =	vmul.f32 v29, v28;
	v2 =	vmul.f32 v20, v18;
	_ =	sdelay $0x1  }
0x44: {  	v0 =	vmul.f32 v31, v0;
	v2 =	vmul.f32 v2, v30;
	_ =	sdelay $0x1  }
0x45: {  	v0 =	vmul.f32 v2, v0  }
0x46: {  	s19 =	sor.u32 $0x10, s19  }
0x47: {  	s17 =	sor.u32 s19, s17;
	[tilespmem:s14+$0x0] =	vst v0  }
0x48: {  	v0 =	vld [tilespmem:s17+$0x0]  }
0x49: {  	v32 =	vld [tilespmem:s17+$0x80]  }
0x4a: {  	v33 =	vld [tilespmem:s17+$0x100]  }
0x4b: {  	v34 =	vld [tilespmem:s17+$0x180]  }
0x4c: {  	v35 =	vld [tilespmem:s17+$0x200]  }
0x4d: {  	v36 =	vld [tilespmem:s17+$0x280]  }
0x4e: {  	v37 =	vld [tilespmem:s17+$0x300]  }
0x4f: {  	v38 =	vld [tilespmem:s17+$0x380];
	s17 =	sor.u32 s19, s18  }
0x50: {  	s18 =	sor.u32 s19, s20;
	v39 =	vld [tilespmem:s17+$0x0]  }
0x51: {  	s20 =	sor.u32 s19, s21;
	v40 =	vld [tilespmem:s18+$0x0]  }
0x52: {  	s21 =	sor.u32 s19, s22;
	v41 =	vld [tilespmem:s20+$0x0]  }
0x53: {  	s22 =	sor.u32 s19, s23;
	v42 =	vld [tilespmem:s21+$0x0]  }
0x54: {  	s23 =	sor.u32 s19, s24;
	v43 =	vld [tilespmem:s22+$0x0]  }
0x55: {  	s24 =	sor.u32 s19, s25;
	v44 =	vld [tilespmem:s23+$0x0]  }
0x56: {  	s25 =	sor.u32 s19, s26;
	v45 =	vld [tilespmem:s24+$0x0]  }
0x57: {  	s26 =	sor.u32 s19, s28;
	v46 =	vld [tilespmem:s25+$0x0]  }
0x58: {  	s28 =	sor.u32 s19, s29;
	v47 =	vld [tilespmem:s26+$0x0]  }
0x59: {  	s29 =	sor.u32 s19, s30;
	v48 =	vld [tilespmem:s28+$0x0]  }
0x5a: {  	s30 =	sor.u32 s19, s31;
	v49 =	vld [tilespmem:s29+$0x0]  }
0x5b: {  	v50 =	vld [tilespmem:s30+$0x0]  }
0x5c: {  	v1 =	vld.idx.msk [tilespmem:v32+s7+$0x0], $0xffff  }
0x5d: {  	v2 =	vld.idx.msk [tilespmem:v33+s7+$0x0], $0xffff  }
0x5e: {  	v3 =	vld.idx.msk [tilespmem:v34+s7+$0x0], $0xffff  }
0x5f: {  	v4 =	vld.idx.msk [tilespmem:v35+s7+$0x0], $0xffff  }
0x60: {  	v5 =	vld.idx.msk [tilespmem:v36+s7+$0x0], $0xffff  }
0x61: {  	v6 =	vld.idx.msk [tilespmem:v37+s7+$0x0], $0xffff  }
0x62: {  	v7 =	vld.idx.msk [tilespmem:v38+s7+$0x0], $0xffff  }
0x63: {  	v8 =	vld.idx.msk [tilespmem:v39+s7+$0x0], $0xffff  }
0x64: {  	v9 =	vld.idx.msk [tilespmem:v40+s7+$0x0], $0xffff  }
0x65: {  	v10 =	vld.idx.msk [tilespmem:v41+s7+$0x0], $0xffff  }
0x66: {  	v11 =	vld.idx.msk [tilespmem:v42+s7+$0x0], $0xffff  }
0x67: {  	v0 =	vadd.s32 $0x1000, v0;
	v12 =	vld.idx.msk [tilespmem:v43+s7+$0x0], $0xffff  }
0x68: {  	v13 =	vld.idx.msk [tilespmem:v44+s7+$0x0], $0xffff  }
0x69: {  	v14 =	vld.idx.msk [tilespmem:v45+s7+$0x0], $0xffff  }
0x6a: {  	v15 =	vld.idx.msk [tilespmem:v46+s7+$0x0], $0xffff  }
0x6b: {  	v16 =	vld.idx.msk [tilespmem:v47+s7+$0x0], $0xffff  }
0x6c: {  	v0 =	vld.idx.msk [tilespmem:v0+s7+$0x0], $0xffff  }
0x6d: {  	v17 =	vld.idx.msk [tilespmem:v48+s7+$0x0], $0xffff  }
0x6e: {  	v18 =	vld.idx.msk [tilespmem:v49+s7+$0x0], $0xffff;
	v51 =	vmul.f32 v3, v2;
	v53 =	vmul.f32 v5, v4  }
0x6f: {  	v52 =	vld.idx.msk [tilespmem:v50+s7+$0x0], $0xffff;
	v54 =	vmul.f32 v7, v6;
	v55 =	vmul.f32 v9, v8  }
0x70: {  	v56 =	vmul.f32 v11, v10;
	v57 =	vmul.f32 v13, v12  }
0x71: {  	v58 =	vmul.f32 v15, v14;
	v0 =	vmul.f32 v1, v0  }
0x72: {  	v59 =	vmul.f32 v54, v53;
	v60 =	vmul.f32 v56, v55  }
0x73: {  	v61 =	vmul.f32 v58, v57;
	v0 =	vmul.f32 v51, v0  }
0x74: {  	v62 =	vmul.f32 v17, v16;
	v2 =	vmul.f32 v52, v18  }
0x75: {  	v63 =	vmul.f32 v61, v60;
	v0 =	vmul.f32 v59, v0  }
0x76: {  	p0 =	sne.s32 s16, $0x1E0  }
.Ltmp0:
0x77: {  	v2 =	vmul.f32 v2, v62;
	v0 =	vmul.f32 v63, v0;
	(pc) =	sbr.rel @p0 .LBB2_2-.Ltmp0, $4  }
0x78: {  	_ = 	snop  }
0x79: {  	s31 =	sand.u32 $0x180, s16;
	v0 =	vmul.f32 v2, v0  }
0x7a: {  	s0 =	sor.u32 s19, s31  }
0x7b: {  	s15 =	sadd.s32 $0x100, s15;
	s14 =	sadd.s32 $0x20, s14;
	s16 =	sadd.s32 $0x20, s16;
	[tilespmem:s0+$0x5000] =	vst v0  }
0x7c: {  	s13 =	sadd.s32 $0x1, s13  }
0x7d: {  	p0 =	sne.s32 s13, s6  }
.Ltmp1:
0x7e: {  	_ = 	snop;
	(pc) =	sbr.rel @p0 .LBB2_1-.Ltmp1, $4  }
0x7f: {  	[hbm4b:s5+s2] =	stream.linear.scatter [tilespmem:s11], [sflag:$0x2], $0x200, $0x38;
	[tilespmem:$0x5200] =	vst v63  }
0x80: {  	_ =	swait.ge [sflag:s12], $0x200  }
0x81: {  	[sflag:s12] =	ssyncset.done $0x0  }
0x82: {  	[sflag:s12] =	ssyncadd.s32 $0xFFFFFE00  }
0x83: {  	_ =	sfence.sel $0x180000  }
0x84: {  	[bflag:$0x0] =	sbarrier.arrive $0xFFFF  }
0x85: {  	_ =	strace $0x90000047  }
0x86: {  	[bflag:$0x2] =	sbarrier.arrive $0xFFFF  }
0x87: {  	p0 =	sne.s32 s1, $0x0;
	s0 =	rddreg [dreg:$0x3]  }
0x88: {  	s0 =	sadd.s32 @!p0 $0x100000, s0  }
0x89: {  	[sflag:s0] =	ssyncadd.tile.s32 @!p0 $0x1;
	_ =	shalt  }
.Lfunc_end2:
_tile_overlayer_lowered:
.L_overlay_start_2:
0x8a: {  	(tag) =	ssettag $0x2  }
0x8b: {  	s0 =	rddreg [dreg:$0x0];
	s2 =	stileid.u32  }
0x8c: {  	s1 =	rddreg [dreg:$0x1];
	p0 =	sne.s32 s2, $0x0  }
0x8d: {  	s3 =	rddreg [dreg:$0x2];
	[bflag:$0x3] =	sbarrier.arrive $0xFFFF;
	s2 =	simm.s32 @!p0 $0x1C02  }
0x8e: {  	[timem:s3], [sflag:s2] =	dma.local @!p0 [hbm:s0], s1  }
0x8f: {  	s0 =	simm.s32 @!p0 $0x2  }
0x90: {  	_ =	swait.ge @!p0 [sflag:s0], s1  }
0x91: {  	s1 =	ssub.s32 @!p0 $0x0, s1;
	[sflag:s0] =	ssyncset.done @!p0 $0x0  }
0x92: {  	[sflag:s0] =	ssyncadd.s32 @!p0 s1  }
0x93: {  	[bflag:$0x3] =	sbarrier.arrive $0xFFFF  }
0x94: {  	_ =	shalt  }

</sc_bundles>
